<compile_context>
chip_gen: v7x
topology: tpu7x:2x2x1
jax: 0.10.2.dev20260603
libtpu: 0.0.44.dev20260713+nightly
codegen_flags: <defaults>
</compile_context>

<pallas_src>
import jax
import jax.numpy as jnp
from jax import lax
from jax.experimental import pallas as pl
from jax.experimental.pallas import tpu as pltpu
from jax.experimental.pallas import tpu_sc as plsc

N_FACTORS = 64
BATCH = 16384
NC = 2
NS = 16
NW = NC * NS
B_PER_W = BATCH // NW
GROUPS = B_PER_W // 16


def _sc_body(users_hbm, items_hbm, uf_hbm, if_hbm, out_hbm,
             idx_u, idx_v, u_rows, v_rows, out_buf, sem_u, sem_v):
    wid = lax.axis_index("s") * NC + lax.axis_index("c")
    base = wid * B_PER_W

    pltpu.sync_copy(users_hbm.at[pl.ds(base, B_PER_W)], idx_u)
    pltpu.sync_copy(items_hbm.at[pl.ds(base, B_PER_W)], idx_v)

    def fire(g, _):
        iu = idx_u[pl.ds(g * 16, 16)]
        iv = idx_v[pl.ds(g * 16, 16)]
        dst = pl.ds(g * 16, 16)
        pltpu.async_copy(uf_hbm.at[iu], u_rows.at[dst], sem_u)
        pltpu.async_copy(if_hbm.at[iv], v_rows.at[dst], sem_v)
        return 0

    lax.fori_loop(0, GROUPS, fire, 0)

    pltpu.make_async_copy(uf_hbm.at[pl.ds(0, B_PER_W)], u_rows, sem_u).wait()
    pltpu.make_async_copy(if_hbm.at[pl.ds(0, B_PER_W)], v_rows, sem_v).wait()

    lane = lax.iota(jnp.int32, 16)
    last = lane == 15

    def row_body(b, _):
        u0 = u_rows[b, pl.ds(0, 16)]
        u1 = u_rows[b, pl.ds(16, 16)]
        u2 = u_rows[b, pl.ds(32, 16)]
        u3 = u_rows[b, pl.ds(48, 16)]
        v0 = v_rows[b, pl.ds(0, 16)]
        v1 = v_rows[b, pl.ds(16, 16)]
        v2 = v_rows[b, pl.ds(32, 16)]
        v3 = v_rows[b, pl.ds(48, 16)]
        p = (u0 * v0 + u1 * v1) + (u2 * v2 + u3 * v3)
        s = lax.cumsum(p)
        plsc.store_scatter(out_buf, [jnp.zeros((16,), jnp.int32) + b], s,
                           mask=last)
        return 0

    lax.fori_loop(0, B_PER_W, row_body, 0)

    pltpu.sync_copy(out_buf, out_hbm.at[pl.ds(base, B_PER_W)])


@jax.jit
def _mf_dot(users, items, user_factors, item_factors):
    mesh = plsc.VectorSubcoreMesh(
        core_axis_name="c", subcore_axis_name="s",
        num_cores=NC, num_subcores=NS)
    k = pl.kernel(
        _sc_body,
        out_type=jax.ShapeDtypeStruct((BATCH,), jnp.float32),
        mesh=mesh,
        compiler_params=pltpu.CompilerParams(
            needs_layout_passes=False, use_tc_tiling_on_sc=False,
            disable_bounds_checks=True),
        scratch_types=[
            pltpu.VMEM((B_PER_W,), jnp.int32),
            pltpu.VMEM((B_PER_W,), jnp.int32),
            pltpu.VMEM((B_PER_W, N_FACTORS), jnp.float32),
            pltpu.VMEM((B_PER_W, N_FACTORS), jnp.float32),
            pltpu.VMEM((B_PER_W,), jnp.float32),
            pltpu.SemaphoreType.DMA,
            pltpu.SemaphoreType.DMA,
        ],
    )
    return k(users, items, user_factors, item_factors)


def kernel(data, user_factors, item_factors):
    users = data[:, 0].astype(jnp.int32)
    items = data[:, 1].astype(jnp.int32)
    return _mf_dot(users, items, user_factors, item_factors)

# --- scband reference (transcript-rebuilt; emitter-appended) ---
"""Pipeline reference for scband-matrix-factorization-55886114455875 (READ-ONLY COPY).

The authoritative reference and input builder live on the scoring server;
editing this copy changes nothing except your own understanding.
"""

import jax, jax.numpy as jnp
import numpy as np

N_USERS = 100000
N_ITEMS = 100000
N_FACTORS = 64
BATCH = 16384

def setup_inputs(seed: int = 0) -> dict:
    key = jax.random.key(seed)
    k1, k2, k3 = jax.random.split(key, 3)
    data = jax.random.randint(k1, (BATCH, 2), 0, N_USERS, dtype=jnp.int64 if jax.config.read('jax_enable_x64') else jnp.int32)
    user_factors = jax.random.uniform(k2, (N_USERS, N_FACTORS), dtype=jnp.float32, minval=0.0, maxval=0.05)
    item_factors = jax.random.uniform(k3, (N_ITEMS, N_FACTORS), dtype=jnp.float32, minval=0.0, maxval=0.05)
    return {"data": data, "user_factors": user_factors, "item_factors": item_factors}

def reference(data, user_factors, item_factors):
    users = data[:, 0]
    items = data[:, 1]
    u = jnp.take(user_factors, users, axis=0)
    v = jnp.take(item_factors, items, axis=0)
    return (u * v).sum(axis=1)

if __name__ == "__main__":
    import jax
    _d = setup_inputs()
    print(jax.jit(kernel)(*tuple(_d.values())))

</pallas_src>

<mosaic_0001>
#map = affine_map<(d0, d1) -> (0)>
#map1 = affine_map<(d0, d1) -> (0, 0)>
module attributes {stable_mosaic.version = 14 : i64} {
  func.func @_sc_body(%arg0: i32, %arg1: i32, %arg2: memref<16384xi32, #tpu.memory_space<hbm>>, %arg3: memref<16384xi32, #tpu.memory_space<hbm>>, %arg4: memref<100000x64xf32, #tpu.memory_space<hbm>>, %arg5: memref<100000x64xf32, #tpu.memory_space<hbm>>, %arg6: memref<16384xf32, #tpu.memory_space<hbm>>, %arg7: memref<512xi32, #tpu.memory_space<vmem>>, %arg8: memref<512xi32, #tpu.memory_space<vmem>>, %arg9: memref<512x64xf32, #tpu.memory_space<vmem>>, %arg10: memref<512x64xf32, #tpu.memory_space<vmem>>, %arg11: memref<512xf32, #tpu.memory_space<vmem>>, %arg12: memref<!tpu.dma_semaphore, #tpu.memory_space<semaphore_mem>>, %arg13: memref<!tpu.dma_semaphore, #tpu.memory_space<semaphore_mem>>) attributes {dimension_semantics = [#tpu.dimension_semantics<core_parallel>, #tpu.dimension_semantics<subcore_parallel>], iteration_bounds = array<i64: 2, 16>, scalar_prefetch = 0 : i64, scratch_operands = 7 : i64, tpu.core_type = #tpu.core_type<sc_vector_subcore>, window_params = [{transform_indices = #map}, {transform_indices = #map}, {transform_indices = #map1}, {transform_indices = #map1}, {transform_indices = #map}]} {
    %mul3A = arith.constant 2 : i32
    %mul3A_0 = arith.muli %arg1, %mul3A : i32
    %add3A = arith.addi %mul3A_0, %arg0 : i32
    %mul3A_1 = arith.constant 512 : i32
    %mul3A_2 = arith.muli %add3A, %mul3A_1 : i32
    "tpu.region"() ({
      %run_scoped3A = tpu.sem_alloc : memref<!tpu.dma_semaphore, #tpu.memory_space<semaphore_mem>>
      %dma_start3A = tpu.memref_slice %arg2[%mul3A_2] : memref<16384xi32, #tpu.memory_space<hbm>> -> memref<512xi32, #tpu.memory_space<hbm>>
      %dma_start3A_29 = tpu.memref_slice %arg2[%mul3A_2] : memref<16384xi32, #tpu.memory_space<hbm>> -> memref<512xi32, #tpu.memory_space<hbm>>
      tpu.enqueue_dma source(%dma_start3A_29 : memref<512xi32, #tpu.memory_space<hbm>>) target(%arg7 : memref<512xi32, #tpu.memory_space<vmem>>) target_semaphore(%run_scoped3A : memref<!tpu.dma_semaphore, #tpu.memory_space<semaphore_mem>>)
      %dma_wait3A_30 = tpu.memref_slice %arg2[%mul3A_2] : memref<16384xi32, #tpu.memory_space<hbm>> -> memref<512xi32, #tpu.memory_space<hbm>>
      %dma_wait3A_31 = tpu.memref_slice %arg2[%mul3A_2] : memref<16384xi32, #tpu.memory_space<hbm>> -> memref<512xi32, #tpu.memory_space<hbm>>
      tpu.wait_dma2 semaphore(%run_scoped3A : memref<!tpu.dma_semaphore, #tpu.memory_space<semaphore_mem>>) src(%dma_wait3A_31 : memref<512xi32, #tpu.memory_space<hbm>>) dst(%arg7 : memref<512xi32, #tpu.memory_space<vmem>>)
      tpu.yield
    }) : () -> ()
    "tpu.region"() ({
      %run_scoped3A = tpu.sem_alloc : memref<!tpu.dma_semaphore, #tpu.memory_space<semaphore_mem>>
      %dma_start3A = tpu.memref_slice %arg3[%mul3A_2] : memref<16384xi32, #tpu.memory_space<hbm>> -> memref<512xi32, #tpu.memory_space<hbm>>
      %dma_start3A_29 = tpu.memref_slice %arg3[%mul3A_2] : memref<16384xi32, #tpu.memory_space<hbm>> -> memref<512xi32, #tpu.memory_space<hbm>>
      tpu.enqueue_dma source(%dma_start3A_29 : memref<512xi32, #tpu.memory_space<hbm>>) target(%arg8 : memref<512xi32, #tpu.memory_space<vmem>>) target_semaphore(%run_scoped3A : memref<!tpu.dma_semaphore, #tpu.memory_space<semaphore_mem>>)
      %dma_wait3A_30 = tpu.memref_slice %arg3[%mul3A_2] : memref<16384xi32, #tpu.memory_space<hbm>> -> memref<512xi32, #tpu.memory_space<hbm>>
      %dma_wait3A_31 = tpu.memref_slice %arg3[%mul3A_2] : memref<16384xi32, #tpu.memory_space<hbm>> -> memref<512xi32, #tpu.memory_space<hbm>>
      tpu.wait_dma2 semaphore(%run_scoped3A : memref<!tpu.dma_semaphore, #tpu.memory_space<semaphore_mem>>) src(%dma_wait3A_31 : memref<512xi32, #tpu.memory_space<hbm>>) dst(%arg8 : memref<512xi32, #tpu.memory_space<vmem>>)
      tpu.yield
    }) : () -> ()
    %scan3A = arith.constant 0 : i32
    %scan3A_3 = arith.constant 0 : i32
    %scan3A_4 = arith.constant 32 : i32
    %scan3A_5 = arith.addi %scan3A_3, %scan3A_4 : i32
    %scan3A_6 = arith.constant 1 : i32
    %scan3A_7 = scf.for %scan3A_29 = %scan3A_3 to %scan3A_5 step %scan3A_6 iter_args(%scan3A_30 = %scan3A) -> (i32)  : i32 {
      %mul3A_31 = arith.constant 16 : i32
      %mul3A_32 = arith.muli %scan3A_29, %mul3A_31 : i32
      %get3A = arith.index_cast %mul3A_32 : i32 to index
      %get3A_33 = tpu.vector_load %arg7[%get3A] {strides = array<i32>} : memref<512xi32, #tpu.memory_space<vmem>>, vector<16xi32>,
      %mul3A_34 = arith.constant 16 : i32
      %mul3A_35 = arith.muli %scan3A_29, %mul3A_34 : i32
      %get3A_36 = arith.index_cast %mul3A_35 : i32 to index
      %get3A_37 = tpu.vector_load %arg8[%get3A_36] {strides = array<i32>} : memref<512xi32, #tpu.memory_space<vmem>>, vector<16xi32>,
      %mul3A_38 = arith.constant 16 : i32
      %mul3A_39 = arith.muli %scan3A_29, %mul3A_38 : i32
      %dma_start3A = arith.constant 0 : i32
      %dma_start3A_40 = tpu.memref_slice %arg9[%mul3A_39, %dma_start3A] : memref<512x64xf32, #tpu.memory_space<vmem>> -> memref<16x64xf32, #tpu.memory_space<vmem>>
      %dma_start3A_41 = arith.constant 0 : i32
      %dma_start3A_42 = arith.constant 0 : i32
      %dma_start3A_43 = tpu.memref_slice %arg4[%dma_start3A_41, %dma_start3A_42] : memref<100000x64xf32, #tpu.memory_space<hbm>> -> memref<100000x64xf32, #tpu.memory_space<hbm>>
      tpu.enqueue_indirect_dma source(%dma_start3A_43 : memref<100000x64xf32, #tpu.memory_space<hbm>>) target(%dma_start3A_40 : memref<16x64xf32, #tpu.memory_space<vmem>>) offsets(%get3A_33 : vector<16xi32>) semaphore(%arg12 : memref<!tpu.dma_semaphore, #tpu.memory_space<semaphore_mem>>)
      %dma_start3A_44 = arith.constant 0 : i32
      %dma_start3A_45 = tpu.memref_slice %arg10[%mul3A_39, %dma_start3A_44] : memref<512x64xf32, #tpu.memory_space<vmem>> -> memref<16x64xf32, #tpu.memory_space<vmem>>
      %dma_start3A_46 = arith.constant 0 : i32
      %dma_start3A_47 = arith.constant 0 : i32
      %dma_start3A_48 = tpu.memref_slice %arg5[%dma_start3A_46, %dma_start3A_47] : memref<100000x64xf32, #tpu.memory_space<hbm>> -> memref<100000x64xf32, #tpu.memory_space<hbm>>
      tpu.enqueue_indirect_dma source(%dma_start3A_48 : memref<100000x64xf32, #tpu.memory_space<hbm>>) target(%dma_start3A_45 : memref<16x64xf32, #tpu.memory_space<vmem>>) offsets(%get3A_37 : vector<16xi32>) semaphore(%arg13 : memref<!tpu.dma_semaphore, #tpu.memory_space<semaphore_mem>>)
      %scan3A_49 = arith.constant 0 : i32
      scf.yield %scan3A_49 : i32
    }
    %scan3A_8 = arith.constant 32 : i32
    %dma_wait3A = arith.constant 0 : i32
    %dma_wait3A_9 = arith.constant 0 : i32
    %dma_wait3A_10 = tpu.memref_slice %arg4[%dma_wait3A, %dma_wait3A_9] : memref<100000x64xf32, #tpu.memory_space<hbm>> -> memref<512x64xf32, #tpu.memory_space<hbm>>
    %dma_wait3A_11 = arith.constant 0 : i32
    %dma_wait3A_12 = arith.constant 0 : i32
    %dma_wait3A_13 = tpu.memref_slice %arg4[%dma_wait3A_11, %dma_wait3A_12] : memref<100000x64xf32, #tpu.memory_space<hbm>> -> memref<512x64xf32, #tpu.memory_space<hbm>>
    tpu.wait_dma2 semaphore(%arg12 : memref<!tpu.dma_semaphore, #tpu.memory_space<semaphore_mem>>) src(%dma_wait3A_13 : memref<512x64xf32, #tpu.memory_space<hbm>>) dst(%arg9 : memref<512x64xf32, #tpu.memory_space<vmem>>)
    %dma_wait3A_14 = arith.constant 0 : i32
    %dma_wait3A_15 = arith.constant 0 : i32
    %dma_wait3A_16 = tpu.memref_slice %arg5[%dma_wait3A_14, %dma_wait3A_15] : memref<100000x64xf32, #tpu.memory_space<hbm>> -> memref<512x64xf32, #tpu.memory_space<hbm>>
    %dma_wait3A_17 = arith.constant 0 : i32
    %dma_wait3A_18 = arith.constant 0 : i32
    %dma_wait3A_19 = tpu.memref_slice %arg5[%dma_wait3A_17, %dma_wait3A_18] : memref<100000x64xf32, #tpu.memory_space<hbm>> -> memref<512x64xf32, #tpu.memory_space<hbm>>
    tpu.wait_dma2 semaphore(%arg13 : memref<!tpu.dma_semaphore, #tpu.memory_space<semaphore_mem>>) src(%dma_wait3A_19 : memref<512x64xf32, #tpu.memory_space<hbm>>) dst(%arg10 : memref<512x64xf32, #tpu.memory_space<vmem>>)
    %iota3A = tpu.iota {dimensions = array<i32: 0>} : vector<16xi32>
    %eq3A = arith.constant 15 : i32
    %eq3A_20 = vector.broadcast %eq3A : i32 to vector<16xi32>
    %eq3A_21 = arith.cmpi eq, %iota3A, %eq3A_20 : vector<16xi32>
    %scan3A_22 = arith.constant 0 : i32
    %scan3A_23 = arith.constant 0 : i32
    %scan3A_24 = arith.constant 512 : i32
    %scan3A_25 = arith.addi %scan3A_23, %scan3A_24 : i32
    %scan3A_26 = arith.constant 1 : i32
    %scan3A_27 = scf.for %scan3A_29 = %scan3A_23 to %scan3A_25 step %scan3A_26 iter_args(%scan3A_30 = %scan3A_22) -> (i32)  : i32 {
      %get3A = arith.index_cast %scan3A_29 : i32 to index
      %get3A_31 = arith.constant 0 : index
      %get3A_32 = tpu.vector_load %arg9[%get3A, %get3A_31] {strides = array<i32>} : memref<512x64xf32, #tpu.memory_space<vmem>>, vector<16xf32>,
      %get3A_33 = arith.index_cast %scan3A_29 : i32 to index
      %get3A_34 = arith.constant 16 : index
      %get3A_35 = tpu.vector_load %arg9[%get3A_33, %get3A_34] {strides = array<i32>} : memref<512x64xf32, #tpu.memory_space<vmem>>, vector<16xf32>,
      %get3A_36 = arith.index_cast %scan3A_29 : i32 to index
      %get3A_37 = arith.constant 32 : index
      %get3A_38 = tpu.vector_load %arg9[%get3A_36, %get3A_37] {strides = array<i32>} : memref<512x64xf32, #tpu.memory_space<vmem>>, vector<16xf32>,
      %get3A_39 = arith.index_cast %scan3A_29 : i32 to index
      %get3A_40 = arith.constant 48 : index
      %get3A_41 = tpu.vector_load %arg9[%get3A_39, %get3A_40] {strides = array<i32>} : memref<512x64xf32, #tpu.memory_space<vmem>>, vector<16xf32>,
      %get3A_42 = arith.index_cast %scan3A_29 : i32 to index
      %get3A_43 = arith.constant 0 : index
      %get3A_44 = tpu.vector_load %arg10[%get3A_42, %get3A_43] {strides = array<i32>} : memref<512x64xf32, #tpu.memory_space<vmem>>, vector<16xf32>,
      %get3A_45 = arith.index_cast %scan3A_29 : i32 to index
      %get3A_46 = arith.constant 16 : index
      %get3A_47 = tpu.vector_load %arg10[%get3A_45, %get3A_46] {strides = array<i32>} : memref<512x64xf32, #tpu.memory_space<vmem>>, vector<16xf32>,
      %get3A_48 = arith.index_cast %scan3A_29 : i32 to index
      %get3A_49 = arith.constant 32 : index
      %get3A_50 = tpu.vector_load %arg10[%get3A_48, %get3A_49] {strides = array<i32>} : memref<512x64xf32, #tpu.memory_space<vmem>>, vector<16xf32>,
      %get3A_51 = arith.index_cast %scan3A_29 : i32 to index
      %get3A_52 = arith.constant 48 : index
      %get3A_53 = tpu.vector_load %arg10[%get3A_51, %get3A_52] {strides = array<i32>} : memref<512x64xf32, #tpu.memory_space<vmem>>, vector<16xf32>,
      %mul3A_54 = arith.mulf %get3A_32, %get3A_44 : vector<16xf32>
      %mul3A_55 = arith.mulf %get3A_35, %get3A_47 : vector<16xf32>
      %add3A_56 = arith.addf %mul3A_54, %mul3A_55 : vector<16xf32>
      %mul3A_57 = arith.mulf %get3A_38, %get3A_50 : vector<16xf32>
      %mul3A_58 = arith.mulf %get3A_41, %get3A_53 : vector<16xf32>
      %add3A_59 = arith.addf %mul3A_57, %mul3A_58 : vector<16xf32>
      %add3A_60 = arith.addf %add3A_56, %add3A_59 : vector<16xf32>
      %cumsum3A = arith.constant true
      %cumsum3A_61 = vector.broadcast %cumsum3A : i1 to vector<16xi1>
      %cumsum3A_62 = tpu.scan <sum>, %add3A_60 masked %cumsum3A_61 : vector<16xf32>, vector<16xi1> -> vector<16xf32>
      %broadcast_in_dim3A = arith.constant 0 : i32
      %broadcast_in_dim3A_63 = vector.broadcast %broadcast_in_dim3A : i32 to vector<16xi32>
      %add3A_64 = vector.broadcast %scan3A_29 : i32 to vector<16xi32>
      %add3A_65 = arith.addi %broadcast_in_dim3A_63, %add3A_64 : vector<16xi32>
      tpu.vector_store_idx %arg11[%add3A_65], %cumsum3A_62 masked %eq3A_21 : memref<512xf32, #tpu.memory_space<vmem>>[vector<16xi32>], vector<16xf32>, vector<16xi1>
      %scan3A_66 = arith.constant 0 : i32
      scf.yield %scan3A_66 : i32
    }
    %scan3A_28 = arith.constant 512 : i32
    "tpu.region"() ({
      %run_scoped3A = tpu.sem_alloc : memref<!tpu.dma_semaphore, #tpu.memory_space<semaphore_mem>>
      %dma_start3A = tpu.memref_slice %arg6[%mul3A_2] : memref<16384xf32, #tpu.memory_space<hbm>> -> memref<512xf32, #tpu.memory_space<hbm>>
      %dma_start3A_29 = tpu.memref_slice %arg6[%mul3A_2] : memref<16384xf32, #tpu.memory_space<hbm>> -> memref<512xf32, #tpu.memory_space<hbm>>
      tpu.enqueue_dma source(%arg11 : memref<512xf32, #tpu.memory_space<vmem>>) target(%dma_start3A_29 : memref<512xf32, #tpu.memory_space<hbm>>) target_semaphore(%run_scoped3A : memref<!tpu.dma_semaphore, #tpu.memory_space<semaphore_mem>>)
      %dma_wait3A_30 = tpu.memref_slice %arg6[%mul3A_2] : memref<16384xf32, #tpu.memory_space<hbm>> -> memref<512xf32, #tpu.memory_space<hbm>>
      %dma_wait3A_31 = tpu.memref_slice %arg6[%mul3A_2] : memref<16384xf32, #tpu.memory_space<hbm>> -> memref<512xf32, #tpu.memory_space<hbm>>
      tpu.wait_dma2 semaphore(%run_scoped3A : memref<!tpu.dma_semaphore, #tpu.memory_space<semaphore_mem>>) src(%arg11 : memref<512xf32, #tpu.memory_space<vmem>>) dst(%dma_wait3A_31 : memref<512xf32, #tpu.memory_space<hbm>>)
      tpu.yield
    }) : () -> ()
    return
  }
}

</mosaic_0001>

<sc_bundles>
// kernel: _mf_dot.3.cloned.1.call-start
scs
__scs_entry_jumppad:
0x0: {  	(pc) =	sbr.rel $0x88, $3  }
0x1: {  	(tag) =	ssettag $0x0;
	lr =	simm.s32 $0x1  }
0x2: {  	[smem:$0x3F9D] =	sst lr;
	_ =	strace $0xD0000000  }
0x3: {  	_ = 	snop  }
0x4: {  	_ = 	snop  }
0x5: {  	_ = 	snop  }
0x6: {  	_ = 	snop  }
0x7: {  	_ = 	snop  }
__scs_overlays_trampoline_lowered:
0x8: {  	[smem:$0x3FAC] =	sst s0  }
0x9: {  	[smem:$0x3FAD] =	sst s1  }
0xa: {  	[smem:$0x3FAE] =	sst s2  }
0xb: {  	[smem:$0x3FAF] =	sst s3  }
0xc: {  	[smem:$0x3FB0] =	sst s4  }
0xd: {  	[smem:$0x3FB1] =	sst s5  }
0xe: {  	[smem:$0x3FB2] =	sst s6  }
0xf: {  	[smem:$0x3FB3] =	sst s7  }
0x10: {  	[smem:$0x3FB4] =	sst s8  }
0x11: {  	[smem:$0x3FB5] =	sst s9;
	s0 =	simm.s32 @!p0 $0x0  }
0x12: {  	s1 =	sld [smem:$0x3F9B];
	s0 =	simm.s32 @p0 $0x1  }
0x13: {  	[smem:$0x3FB6] =	sst s0;
	s0 =	simm.s32 @!p1 $0x0  }
0x14: {  	s2 =	sld [smem:$0x3F9A];
	s0 =	simm.s32 @p1 $0x1  }
0x15: {  	[smem:$0x3FB7] =	sst s0;
	s0 =	simm.s32 @!p2 $0x0  }
0x16: {  	s3 =	sld [smem:$0x3FDB];
	s0 =	simm.s32 @p2 $0x1  }
0x17: {  	s4 =	simm.s32 $0x1BF5;
	[smem:$0x3FB9] =	sst s0  }
0x18: {  	s0 =	sld [smem:$0x3F9C];
	_ =	swait.ge [sflag:s4], $0x0  }
0x19: {  	s7 =	sld [smem:$0x3F9D]  }
0x1a: {  	s8 =	sadd.s32 $0xFFFFE003, lr  }
0x1b: {  	s9 =	sadd.s32 $0xFFFFFEF7, lr;
	s5 =	simm.s32 $0xFFFFFFFF;
	p2 =	slt.u32 s8, $0xFFFFF086  }
0x1c: {  	p1 =	slt.u32 s9, $0xF7A;
	s5 =	simm.s32 @!p2 $0x0  }
0x1d: {  	s5 =	simm.s32 @p1 $0x1;
	p0 =	seq.s32 s7, s2  }
0x1e: {  	s7 =	smul.u32 @!p0 $0xF7A, s2;
	p2 =	seq.s32 @!p0 s5, $0x0  }
0x1f: {  	s9 =	smul.u32 $0xF7A, s1;
	s8 =	simm.s32 @!p0 $0x1BF5;
	p2 =	por !p2, p0  }
0x20: {  	[sflag:s8] =	ssyncset.s32 @!p0 $0xFFFFF086;
	s6 =	sadd.s32 @!p0 s3, s7;
	s7 =	simm.s32 @!p0 $0x108  }
0x21: {  	s3 =	sadd.s32 s3, s9;
	s6 =	sadd.s32 @!p0 $0x88, s6;
	s7 =	simm.s32 @p2 $0x1082  }
0x22: {  	[simem:s7], [sflag:s8] =	dma.local @!p0 [hbm:s6], $0xF7A  }
0x23: {  	s9 =	sor.u32 $0xD0000000, s2;
	s6 =	simm.s32 $0x108;
	_ =	swait.ge @!p0 [sflag:s8], $0x0  }
0x24: {  	s3 =	sadd.s32 $0x88, s3;
	s6 =	simm.s32 @!p1 $0x1082;
	[sflag:s4] =	ssyncset.s32 $0xFFFFF086  }
0x25: {  	[simem:s6], [sflag:s4] =	dma.local [hbm:s3], $0xF7A  }
0x26: {  	[smem:$0x3F9D] =	sst s1;
	(tag) =	ssettag s2;
	_ =	strace s9  }
0x27: {  	s1 =	sld [smem:$0x3FAD]  }
0x28: {  	s2 =	sld [smem:$0x3FAE]  }
0x29: {  	s4 =	sld [smem:$0x3FB0]  }
0x2a: {  	p0 =	seq.s32 s5, $0x0;
	s5 =	sld [smem:$0x3FB1]  }
0x2b: {  	s6 =	sld [smem:$0x3FB2]  }
0x2c: {  	s7 =	sld [smem:$0x3FB3]  }
0x2d: {  	s3 =	simm.s32 $0x108;
	s8 =	sld [smem:$0x3FB4]  }
0x2e: {  	s3 =	simm.s32 @!p0 $0x1082;
	s9 =	sld [smem:$0x3FB5]  }
0x2f: {  	lr =	sadd.s32 s0, s3;
	s0 =	sld [smem:$0x3FAC]  }
0x30: {  	s3 =	sld [smem:$0x3FAF]  }
0x31: {  	[smem:$0x3FB8] =	sst s10  }
0x32: {  	s10 =	sld [smem:$0x3FB6];
	_ =	sdelay $0x3  }
0x33: {  	p0 =	seq.s32 s10, $0x1;
	s10 =	sld [smem:$0x3FB8];
	_ =	sdelay $0x3  }
0x34: {  	[smem:$0x3FB8] =	sst s10  }
0x35: {  	s10 =	sld [smem:$0x3FB7];
	_ =	sdelay $0x3  }
0x36: {  	p1 =	seq.s32 s10, $0x1;
	s10 =	sld [smem:$0x3FB8];
	_ =	sdelay $0x3  }
0x37: {  	[smem:$0x3FB8] =	sst s10  }
0x38: {  	s10 =	sld [smem:$0x3FB9]  }
0x39: {  	_ = 	snop;
	(pc) =	sbr.ind lr, $3  }
0x3a: {  	_ = 	snop  }
0x3b: {  	_ = 	snop  }
0x3c: {  	p2 =	seq.s32 s10, $0x1;
	s10 =	sld [smem:$0x3FB8]  }
0x3d: {  	_ =	shalt  }
0x3e: {  	_ =	shalt  }
0x3f: {  	_ =	shalt  }
0x40: {  	_ =	shalt  }
0x41: {  	_ =	shalt  }
0x42: {  	_ =	shalt  }
0x43: {  	_ =	shalt  }
0x44: {  	_ =	shalt  }
0x45: {  	_ =	shalt  }
0x46: {  	_ =	shalt  }
0x47: {  	_ =	shalt  }
0x48: {  	_ =	shalt  }
0x49: {  	_ =	shalt  }
0x4a: {  	_ =	shalt  }
0x4b: {  	_ =	shalt  }
0x4c: {  	_ =	shalt  }
0x4d: {  	_ =	shalt  }
0x4e: {  	_ =	shalt  }
0x4f: {  	_ =	shalt  }
0x50: {  	_ =	shalt  }
0x51: {  	_ =	shalt  }
0x52: {  	_ =	shalt  }
0x53: {  	_ =	shalt  }
0x54: {  	_ =	shalt  }
0x55: {  	_ =	shalt  }
0x56: {  	_ =	shalt  }
0x57: {  	_ =	shalt  }
0x58: {  	_ =	shalt  }
0x59: {  	_ =	shalt  }
0x5a: {  	_ =	shalt  }
0x5b: {  	_ =	shalt  }
0x5c: {  	_ =	shalt  }
0x5d: {  	_ =	shalt  }
0x5e: {  	_ =	shalt  }
0x5f: {  	_ =	shalt  }
0x60: {  	_ =	shalt  }
0x61: {  	_ =	shalt  }
0x62: {  	_ =	shalt  }
0x63: {  	_ =	shalt  }
0x64: {  	_ =	shalt  }
0x65: {  	_ =	shalt  }
0x66: {  	_ =	shalt  }
0x67: {  	_ =	shalt  }
0x68: {  	_ =	shalt  }
0x69: {  	_ =	shalt  }
0x6a: {  	_ =	shalt  }
0x6b: {  	_ =	shalt  }
0x6c: {  	_ =	shalt  }
0x6d: {  	_ =	shalt  }
0x6e: {  	_ =	shalt  }
0x6f: {  	_ =	shalt  }
0x70: {  	_ =	shalt  }
0x71: {  	_ =	shalt  }
0x72: {  	_ =	shalt  }
0x73: {  	_ =	shalt  }
0x74: {  	_ =	shalt  }
0x75: {  	_ =	shalt  }
0x76: {  	_ =	shalt  }
0x77: {  	_ =	shalt  }
0x78: {  	_ =	shalt  }
0x79: {  	_ =	shalt  }
0x7a: {  	_ =	shalt  }
0x7b: {  	_ =	shalt  }
0x7c: {  	_ =	shalt  }
0x7d: {  	_ =	shalt  }
0x7e: {  	_ =	shalt  }
0x7f: {  	_ =	shalt  }
0x80: {  	_ =	shalt  }
0x81: {  	_ =	shalt  }
0x82: {  	_ =	shalt  }
0x83: {  	_ =	shalt  }
0x84: {  	_ =	shalt  }
0x85: {  	_ =	shalt  }
0x86: {  	_ =	shalt  }
0x87: {  	_ =	shalt  }
.Lfunc_end0:
.L_simem_size_0:
called_computation_lowered:
.L_overlay_start_0:
0x88: {  	s2 =	sld [smem:$0x3FD9]  }
0x89: {  	s3 =	sld [smem:$0x3FFE];
	_ =	sdelay $0x1  }
0x8a: {  	s1 =	srdreg.scid  }
0x8b: {  	s0 =	sand.u32 $0x1, s1  }
0x8c: {  	s17 =	sshll.u32 s0, $0xA;
	s2 =	sadd.s32 s3, s2  }
0x8d: {  	s2 =	sadd.s32 s2, s17  }
0x8e: {  	[smem:$0x3FC4] =	sst s2  }
0x8f: {  	_ = 	snop  }
0x90: {  	s2 =	sld [smem:$0x3FC9]  }
0x91: {  	s18 =	sld [smem:$0x3FC8]  }
0x92: {  	s4 =	sld [smem:$0x3FD0];
	(tm) =	ssettm $0x1  }
0x93: {  	s5 =	sld [smem:$0x3FFB];
	_ =	sdelay $0x3  }
0x94: {  	_ =	strace s5  }
0x95: {  	s5 =	sld [smem:$0x3FFC];
	_ =	sdelay $0x3  }
0x96: {  	_ =	strace s5  }
0x97: {  	s5 =	sld [smem:$0x3FFD];
	_ =	sdelay $0x3  }
0x98: {  	_ =	strace s5  }
0x99: {  	_ =	strace $0x8FFFFFFF  }
0x9a: {  	s19 =	sld [smem:$0x3FDB];
	_ =	sdelay $0x1  }
0x9b: {  	s6 =	simm.s32 $_scs_section_size  }
0x9c: {  	s7 =	simm.s32 $_size__tile_overlayer_lowered;
	s8 =	simm.s32 $_tile_overlayer_lowered  }
0x9d: {  	s22 =	simm.s32 $0x1BFF;
	s21 =	sshll.u32 s8, $0x1;
	s5 =	sadd.s32 s6, s19  }
0x9e: {  	s9 =	simm.s32 $0x0;
	s20 =	sshll.u32 s7, $0x1;
	s7 =	sadd.s32 s21, s5  }
0x9f: {  	[timem:s9], [sflag:s22] =	dma.local [hbm:s7], s20  }
0xa0: {  	_ =	swait.ge [sflag:s22], s20  }
0xa1: {  	s6 =	ssub.s32 $0x0, s20;
	[sflag:s22] =	ssyncset.done $0x0  }
0xa2: {  	[sflag:s22] =	ssyncadd.s32 s6;
	_ =	sdelay $0x1  }
0xa3: {  	s23 =	simm.s32 $0x1B8B  }
0xa4: {  	_ =	swait.ge [sflag:s23], $0x1  }
0xa5: {  	[sflag:s23] =	ssyncset.done $0x0  }
0xa6: {  	s25 =	simm.s32 $0x1B8E;
	s24 =	sld [smem:$0x3FFE];
	[sflag:s23] =	ssyncadd.s32 $0xFFFFFFFF  }
0xa7: {  	s26 =	simm.s32 $execute0_lowered;
	[smem:$0x3FD2] =	sst s25  }
0xa8: {  	s7 =	sshll.u32 s26, $0x1;
	_ =	strace $0x80000046;
	[dreg:$0x1] =	wrdreg $0xFFFFFFFF  }
0xa9: {  	s28 =	simm.s32 $_size_execute0_lowered;
	s5 =	sadd.s32 s5, s7;
	[dreg:$0x0] =	wrdreg $0x0  }
0xaa: {  	s7 =	sshll.u32 s28, $0x1;
	[dreg:$0x2] =	wrdreg s5  }
0xab: {  	[dreg:$0x3] =	wrdreg s7  }
0xac: {  	[dreg:$0x4] =	wrdreg $0xC0  }
0xad: {  	_ =	task [dreg:s9], $0x5FFFF  }
0xae: {  	[dreg:$0x1] =	wrdreg $0xFFFFFFFF  }
0xaf: {  	[dreg:$0x0] =	wrdreg $0x60  }
0xb0: {  	[dreg:$0x2] =	wrdreg s2  }
0xb1: {  	[dreg:$0x3] =	wrdreg s18  }
0xb2: {  	[dreg:$0x4] =	wrdreg s24  }
0xb3: {  	[dreg:$0x5] =	wrdreg s4  }
0xb4: {  	[dreg:$0x6] =	wrdreg $0x9  }
0xb5: {  	_ =	task.clear_ibuf [dreg:s9], $0x7FFFF;
	_ =	strace $0x90000046  }
0xb6: {  	s29 =	simm.s32 $0x9;
	_ =	strace $0x80000048  }
0xb7: {  	_ =	swait.ge [sflag:s29], $0x1  }
0xb8: {  	[sflag:s29] =	ssyncadd.s32 $0xFFFFFFFF  }
0xb9: {  	_ =	strace $0x90000048  }
0xba: {  	_ =	sfence  }
0xbb: {  	s30 =	sld [smem:$0x0];
	_ =	sdelay $0x2  }
0xbc: {  	s31 =	sshll.u32 s1, $0xD;
	s1 =	sshrl.u32 s1, $0x2  }
0xbd: {  	s3 =	sand.u32 $0x4000, s31;
	s1 =	sadd.s32 s1, s30  }
0xbe: {  	s0 =	sor.u32 s3, s0;
	s1 =	sshll.u32 s1, $0x11  }
0xbf: {  	s0 =	sor.u32 s1, s0  }
0xc0: {  	s0 =	sadd.s32 $0x8F2B, s0  }
0xc1: {  	[sflag:s0] =	ssyncadd.remote.s32 $0x1  }
0xc2: {  	_ =	sfence.sel $0xFFFF  }
0xc3: {  	[dreg:$0x0] =	wrdreg $0xFFFFFFFF;
	(pc) =	sbr.abs _section_cstart, $3  }
0xc4: {  	[dreg:$0x1] =	wrdreg $0xFFFFFFFF  }
0xc5: {  	_ =	task.clear_ibuf [dreg:s9], $0x2FFFF;
	_ =	strace $0x9FFFFFFF  }
0xc6: {  	(tm) =	ssettm $0x7FFFFFFF  }
0xc7: {  	_ =	shalt  }
tec
execute0_lowered:
.L_overlay_start_1:
0x0: {  	(tag) =	ssettag $0x1  }
0x1: {  	s5 =	rddreg [dreg:$0x0]  }
0x2: {  	s6 =	rddreg [dreg:$0x1]  }
0x3: {  	s4 =	rddreg [dreg:$0x2]  }
0x4: {  	s7 =	rddreg [dreg:$0x3]  }
0x5: {  	s0 =	rddreg [dreg:$0x4]  }
0x6: {  	s2 =	simm.s32 $0x0;
	s3 =	srdreg.scid;
	s1 =	stileid.u32  }
0x7: {  	s12 =	simm.s32 $0x2;
	s13 =	simm.s32 $0x10400;
	s14 =	simm.s32 $0x0  }
0x8: {  	[smem:$0x7FF] =	sst s2;
	s3 =	sand.u32 $0x1, s3;
	s9 =	sshll.u32 s1, $0x7  }
0x9: {  	_ =	strace $0x80000047;
	s8 =	ssub.s32 $0x2, s3;
	s10 =	sshll.u32 s3, $0x6  }
0xa: {  	s3 =	sadd.s32 $0x188A00, s4;
	s4 =	sadd.s32 $0x24C000, s4;
	s11 =	sshrl.u32 s8, $0x1  }
0xb: {  	s9 =	sor.u32 s10, s9;
	s10 =	simm.s32 $0x200;
	s8 =	ssub.s32 s8, s11  }
0xc: {  	s5 =	sadd.s32 s5, s9;
	s6 =	sadd.s32 s6, s9;
	s7 =	sadd.s32 s7, s9  }
0xd: {  	vm0 =	vmmov $0xffff;
	vm1 =	vcmask $0x3F3C;
	s9 =	simm.s32 $0x3;
	s11 =	simm.s32 $0x1;
	s8 =	smax.u32 s8, $0x1  }
.LBB2_1:
0xe: {  	[tilespmem:s2], [sflag:$0x3] =	stream.linear.gather [hbm4b:s5+s2], $0x200, $0x38;
	[tilespmem:$0x10600] =	vst v63  }
0xf: {  	_ =	swait.ge [sflag:s9], $0x200  }
0x10: {  	[sflag:s9] =	ssyncset.done $0x0  }
0x11: {  	[sflag:s9] =	ssyncadd.s32 $0xFFFFFE00  }
0x12: {  	[tilespmem:s10], [sflag:$0x3] =	stream.linear.gather [hbm4b:s6+s2], $0x200, $0x38;
	[tilespmem:$0x10600] =	vst v63  }
0x13: {  	_ =	swait.ge [sflag:s9], $0x200  }
0x14: {  	[sflag:s9] =	ssyncset.done $0x0  }
0x15: {  	s15 =	simm.s32 $0x0;
	[sflag:s9] =	ssyncadd.s32 $0xFFFFFE00  }
0x16: {  	v0 =	vld [tilespmem:s15+$0x0];
	_ =	sdelay $0x1  }
0x17: {  	v1 =	vld [tilespmem:s15+$0x200];
	_ =	sdelay $0x4  }
0x18: {  	s15 =	simm.s32 $0x400  }
0x19: {  	[tilespmem:s15], [sflag:$0x1] =	stream.indirect_vreg.gather [hbm4b:s3+s2], $0x40, v0, vm0, $0xb8;
	[tilespmem:$0x10600] =	vst v63  }
0x1a: {  	s16 =	simm.s32 $0x8400;
	s18 =	simm.s32 $0x10  }
0x1b: {  	[tilespmem:s16], [sflag:$0x2] =	stream.indirect_vreg.gather [hbm4b:s4+s2], $0x40, v1, vm0, $0xb8;
	[tilespmem:$0x10600] =	vst v63  }
0x1c: {  	s17 =	simm.s32 $0x80;
	v0 =	vld [tilespmem:s18+$0x0]  }
.LBB2_2:
0x1d: {  	p0 =	sne.s32 s17, $0x7C0  }
0x1e: {  	v1 =	vld [tilespmem:s18+$0x200];
	_ =	sdelay $0x4  }
.Ltmp0:
0x1f: {  	s15 =	sadd.s32 $0x400, s15;
	(pc) =	sbr.rel @p0 .LBB2_2-.Ltmp0, $4  }
0x20: {  	[tilespmem:s15], [sflag:$0x1] =	stream.indirect_vreg.gather [hbm4b:s3+s2], $0x40, v0, vm0, $0xb8;
	[tilespmem:$0x10600] =	vst v63  }
0x21: {  	s16 =	sadd.s32 $0x400, s16;
	s18 =	sshra.s32 s17, $0x2  }
0x22: {  	[tilespmem:s16], [sflag:$0x2] =	stream.indirect_vreg.gather [hbm4b:s4+s2], $0x40, v1, vm0, $0xb8;
	[tilespmem:$0x10600] =	vst v63  }
0x23: {  	s17 =	sadd.s32 $0x40, s17;
	v0 =	vld [tilespmem:s18+$0x0]  }
0x24: {  	_ =	sdelay $0x1  }
0x25: {  	v1 =	vld [tilespmem:s18+$0x200];
	_ =	sdelay $0x4  }
0x26: {  	s15 =	sadd.s32 $0x400, s15  }
0x27: {  	[tilespmem:s15], [sflag:$0x1] =	stream.indirect_vreg.gather [hbm4b:s3+s2], $0x40, v0, vm0, $0xb8;
	[tilespmem:$0x10600] =	vst v63  }
0x28: {  	s31 =	sadd.s32 $0x400, s16  }
0x29: {  	[tilespmem:s31], [sflag:$0x2] =	stream.indirect_vreg.gather [hbm4b:s4+s2], $0x40, v1, vm0, $0xb8;
	[tilespmem:$0x10600] =	vst v63  }
0x2a: {  	_ =	swait.ge [sflag:s11], $0x8000  }
0x2b: {  	[sflag:s11] =	ssyncset.done $0x0  }
0x2c: {  	[sflag:s11] =	ssyncadd.s32 $0xFFFF8000  }
0x2d: {  	_ =	swait.ge [sflag:s12], $0x8000  }
0x2e: {  	[sflag:s12] =	ssyncset.done $0x0  }
0x2f: {  	s15 =	simm.s32 $0x8420;
	[sflag:s12] =	ssyncadd.s32 $0xFFFF8000  }
0x30: {  	s17 =	simm.s32 $0x420;
	v0 =	vld [tilespmem:s15+$0xFFFFFFE0]  }
0x31: {  	v1 =	vld [tilespmem:s17+$0xFFFFFFE0]  }
0x32: {  	v2 =	vld [tilespmem:s17+$0xFFFFFFF0]  }
0x33: {  	v3 =	vld [tilespmem:s15+$0xFFFFFFF0]  }
0x34: {  	v4 =	vld [tilespmem:s17+$0x0]  }
0x35: {  	v5 =	vld [tilespmem:s15+$0x0]  }
0x36: {  	v6 =	vld [tilespmem:s17+$0x10]  }
0x37: {  	s16 =	simm.s32 $0x0;
	s18 =	simm.s32 $0x1;
	v7 =	vld [tilespmem:s15+$0x10]  }
.LBB2_4:
0x38: {  	p0 =	sne.s32 s18, $0x1FF;
	_ =	sdelay $0x2  }
0x39: {  	v0 =	vmul.f32 v0, v1;
	v1 =	vmul.f32 v3, v2  }
0x3a: {  	v2 =	vmul.f32 v5, v4;
	v3 =	vmul.f32 v7, v6;
	_ =	sdelay $0x1  }
0x3b: {  	v0 =	vadd.f32 v1, v0;
	v1 =	vadd.f32 v3, v2;
	_ =	sdelay $0x1  }
0x3c: {  	v0 =	vadd.f32 v1, v0;
	_ =	sdelay $0x1  }
0x3d: {  	(xrf2) =	vadd.scan.msk.f32 $0xffff, v0;
	_ =	sdelay $0x5  }
0x3e: {  	v0 =	vmov s16;
	s16 =	smov.u32 s18;
	_ =	sdelay $0x3  }
0x3f: {  	v1, _, _ =	vpop (xrf2)  }
0x40: {  	s15 =	sadd.s32 $0x40, s15;
	[tilespmem:v0+s13+$0x0] =	vst.idx.msk vm1, v1  }
0x41: {  	s17 =	sadd.s32 $0x40, s17;
	v0 =	vld [tilespmem:s15+$0xFFFFFFE0]  }
0x42: {  	v1 =	vld [tilespmem:s17+$0xFFFFFFE0]  }
0x43: {  	v2 =	vld [tilespmem:s17+$0xFFFFFFF0]  }
.Ltmp1:
0x44: {  	v3 =	vld [tilespmem:s15+$0xFFFFFFF0];
	(pc) =	sbr.rel @p0 .LBB2_4-.Ltmp1, $4  }
0x45: {  	v4 =	vld [tilespmem:s17+$0x0]  }
0x46: {  	v5 =	vld [tilespmem:s15+$0x0]  }
0x47: {  	v6 =	vld [tilespmem:s17+$0x10]  }
0x48: {  	s18 =	sadd.s32 $0x1, s18;
	v7 =	vld [tilespmem:s15+$0x10]  }
0x49: {  	_ =	sdelay $0x2  }
0x4a: {  	v0 =	vmul.f32 v0, v1;
	v58 =	vmul.f32 v3, v2  }
0x4b: {  	v59 =	vmul.f32 v5, v4;
	v60 =	vmul.f32 v7, v6;
	_ =	sdelay $0x1  }
0x4c: {  	v0 =	vadd.f32 v58, v0;
	v61 =	vadd.f32 v60, v59;
	_ =	sdelay $0x1  }
0x4d: {  	v0 =	vadd.f32 v61, v0;
	_ =	sdelay $0x1  }
0x4e: {  	(xrf2) =	vadd.scan.msk.f32 $0xffff, v0;
	_ =	sdelay $0x5  }
0x4f: {  	v62 =	vmov s16;
	_ =	sdelay $0x2  }
0x50: {  	s14 =	sadd.s32 $0x1, s14  }
0x51: {  	p0 =	sne.s32 s14, s8;
	v63, _, _ =	vpop (xrf2)  }
.Ltmp2:
0x52: {  	[tilespmem:v62+s13+$0x0] =	vst.idx.msk vm1, v63;
	(pc) =	sbr.rel @p0 .LBB2_1-.Ltmp2, $4  }
0x53: {  	[hbm4b:s7+s2] =	stream.linear.scatter [tilespmem:s13], [sflag:$0x3], $0x200, $0x38;
	[tilespmem:$0x10600] =	vst v63  }
0x54: {  	_ =	swait.ge [sflag:s9], $0x200  }
0x55: {  	[sflag:s9] =	ssyncset.done $0x0  }
0x56: {  	[sflag:s9] =	ssyncadd.s32 $0xFFFFFE00  }
0x57: {  	_ =	sfence.sel $0x180000  }
0x58: {  	[bflag:$0x0] =	sbarrier.arrive $0xFFFF  }
0x59: {  	p0 =	sne.s32 s1, $0x0;
	_ =	strace $0x90000047  }
0x5a: {  	s0 =	sadd.s32 @!p0 $0x100000, s0;
	[bflag:$0x2] =	sbarrier.arrive $0xFFFF  }
0x5b: {  	[sflag:s0] =	ssyncadd.tile.s32 @!p0 $0x1;
	_ =	shalt  }
.Lfunc_end2:
_tile_overlayer_lowered:
.L_overlay_start_2:
0x5c: {  	(tag) =	ssettag $0x2  }
0x5d: {  	s0 =	rddreg [dreg:$0x0];
	s2 =	stileid.u32  }
0x5e: {  	s1 =	rddreg [dreg:$0x1];
	p0 =	sne.s32 s2, $0x0  }
0x5f: {  	s3 =	rddreg [dreg:$0x2];
	[bflag:$0x3] =	sbarrier.arrive $0xFFFF;
	s2 =	simm.s32 @!p0 $0x1C03  }
0x60: {  	[timem:s3], [sflag:s2] =	dma.local @!p0 [hbm:s0], s1  }
0x61: {  	s0 =	simm.s32 @!p0 $0x3  }
0x62: {  	_ =	swait.ge @!p0 [sflag:s0], s1  }
0x63: {  	s1 =	ssub.s32 @!p0 $0x0, s1;
	[sflag:s0] =	ssyncset.done @!p0 $0x0  }
0x64: {  	[sflag:s0] =	ssyncadd.s32 @!p0 s1  }
0x65: {  	[bflag:$0x3] =	sbarrier.arrive $0xFFFF  }
0x66: {  	_ =	shalt  }

</sc_bundles>
